<compile_context>
chip_gen: v7x
topology: tpu7x:2x2x1
jax: 0.10.2.dev20260603
libtpu: 0.0.44.dev20260713+nightly
codegen_flags: <defaults>
</compile_context>

<pallas_src>
import jax
import jax.numpy as jnp
from jax import lax
from jax.experimental import pallas as pl
from jax.experimental.pallas import tpu as pltpu
from jax.experimental.pallas import tpu_sc as plsc

VOCAB = 1000000
HIDDEN = 64
B = 4096
L = 200

NC = 2
NS = 16
NW = NC * NS
TOKENS = B * L
PER_W = TOKENS // NW
NCH = PER_W // (2 * L)
HALF = L
OUT_ROWS = TOKENS // 2


def _gather_body(ids_hbm, table_hbm, out_hbm, idx_v, e0, o0, e1, o1,
                 sg0, sg1, sw0, sw1):
    wid = lax.axis_index("s") * NC + lax.axis_index("c")
    ebufs = (e0, e1)
    obufs = (o0, o1)
    gsems = (sg0, sg1)
    wsems = (sw0, sw1)
    tbase = wid * PER_W
    obase = wid * (PER_W // 2)

    pltpu.sync_copy(ids_hbm.at[pl.ds(tbase, PER_W)], idx_v)

    def gat_e(c, b):
        return pltpu.make_async_copy(
            table_hbm.at[idx_v.at[pl.ds(c * 2 * L, HALF)]], ebufs[b], gsems[b]
        )

    def gat_o(c, b):
        return pltpu.make_async_copy(
            table_hbm.at[idx_v.at[pl.ds(c * 2 * L + HALF, HALF)]],
            obufs[b], gsems[b]
        )

    def wb_e(c, b):
        return pltpu.make_async_copy(
            ebufs[b],
            out_hbm.at[pl.ds(obase + c * HALF, HALF), pl.ds(0, HIDDEN)],
            wsems[b],
        )

    def wb_o(c, b):
        return pltpu.make_async_copy(
            obufs[b],
            out_hbm.at[pl.ds(obase + c * HALF, HALF), pl.ds(HIDDEN, HIDDEN)],
            wsems[b],
        )

    for b in range(2):
        gat_e(b, b).start()
        gat_o(b, b).start()

    def step(g):
        for b in range(2):
            c = g + b
            gat_e(c, b).wait()
            gat_o(c, b).wait()
            wb_e(c, b).start()
            wb_o(c, b).start()
        for b in range(2):
            nxt = g + b + 2

            @pl.when(nxt < NCH)
            def _():
                wb_e(g + b, b).wait()
                wb_o(g + b, b).wait()
                gat_e(nxt, b).start()
                gat_o(nxt, b).start()

    pl.loop(0, NCH, step=2)(step)

    for b in range(2):
        wb_e(NCH - 2 + b, b).wait()
        wb_o(NCH - 2 + b, b).wait()


@jax.jit
def _embed(ids, table):
    out2 = pl.kernel(
        _gather_body,
        out_type=jax.ShapeDtypeStruct((OUT_ROWS, 128), jnp.float32),
        mesh=plsc.VectorSubcoreMesh(
            core_axis_name="c", subcore_axis_name="s",
            num_cores=NC, num_subcores=NS,
        ),
        scratch_types=[
            pltpu.VMEM((PER_W,), jnp.int32),
            pltpu.VMEM((HALF, HIDDEN), jnp.float32),
            pltpu.VMEM((HALF, HIDDEN), jnp.float32),
            pltpu.VMEM((HALF, HIDDEN), jnp.float32),
            pltpu.VMEM((HALF, HIDDEN), jnp.float32),
            pltpu.SemaphoreType.DMA,
            pltpu.SemaphoreType.DMA,
            pltpu.SemaphoreType.DMA,
            pltpu.SemaphoreType.DMA,
        ],
        compiler_params=pltpu.CompilerParams(use_tc_tiling_on_sc=False),
    )(ids, table)
    return jnp.reshape(out2, (B, L, HIDDEN))


def kernel(input_ids, table):
    ids1 = jnp.reshape(input_ids.astype(jnp.int32), (NW * NCH, HALF, 2))
    ids1 = jnp.reshape(jnp.transpose(ids1, (0, 2, 1)), (TOKENS,))
    return _embed(ids1, table)

# --- scband reference (transcript-rebuilt; emitter-appended) ---
"""Pipeline reference for scband-word-embeddings-30176440222018 (READ-ONLY COPY).

The authoritative reference and input builder live on the scoring server;
editing this copy changes nothing except your own understanding.
"""

import jax, jax.numpy as jnp
import numpy as np

VOCAB = 1000000
HIDDEN = 64
B = 4096
L = 200

def setup_inputs(seed: int = 0) -> dict:
    key = jax.random.key(seed)
    k1, k2 = jax.random.split(key)
    input_ids = jax.random.randint(k1, (B, L), 0, VOCAB, dtype=jnp.int64 if jax.config.jax_enable_x64 else jnp.int32)
    table = jax.random.normal(k2, (VOCAB, HIDDEN), dtype=jnp.float32)
    return {"input_ids": input_ids, "table": table}

def reference(input_ids, table):
    # Faithful translation of WordEmbeddings.__call__:
    # flatten ids, embed via gather, reshape back to [B, L, hidden]
    flat_input_ids = jnp.reshape(input_ids, [input_ids.shape[0] * input_ids.shape[1]])
    flat_input_embeddings = jnp.take(table, flat_input_ids, axis=0)
    token_embeddings = jnp.reshape(
        flat_input_embeddings,
        [input_ids.shape[0], input_ids.shape[1], table.shape[1]],
    )
    return token_embeddings

if __name__ == "__main__":
    import jax
    _d = setup_inputs()
    print(jax.jit(kernel)(*tuple(_d.values())))

</pallas_src>

<mosaic_0001>
#map = affine_map<(d0, d1) -> (0)>
#map1 = affine_map<(d0, d1) -> (0, 0)>
module attributes {stable_mosaic.version = 14 : i64} {
  func.func @_gather_body(%arg0: i32, %arg1: i32, %arg2: memref<819200xi32, #tpu.memory_space<hbm>>, %arg3: memref<1000000x64xf32, #tpu.memory_space<hbm>>, %arg4: memref<409600x128xf32, #tpu.memory_space<hbm>>, %arg5: memref<25600xi32, #tpu.memory_space<vmem>>, %arg6: memref<200x64xf32, #tpu.memory_space<vmem>>, %arg7: memref<200x64xf32, #tpu.memory_space<vmem>>, %arg8: memref<200x64xf32, #tpu.memory_space<vmem>>, %arg9: memref<200x64xf32, #tpu.memory_space<vmem>>, %arg10: memref<!tpu.dma_semaphore, #tpu.memory_space<semaphore_mem>>, %arg11: memref<!tpu.dma_semaphore, #tpu.memory_space<semaphore_mem>>, %arg12: memref<!tpu.dma_semaphore, #tpu.memory_space<semaphore_mem>>, %arg13: memref<!tpu.dma_semaphore, #tpu.memory_space<semaphore_mem>>) attributes {dimension_semantics = [#tpu.dimension_semantics<core_parallel>, #tpu.dimension_semantics<subcore_parallel>], iteration_bounds = array<i64: 2, 16>, scalar_prefetch = 0 : i64, scratch_operands = 9 : i64, tpu.core_type = #tpu.core_type<sc_vector_subcore>, window_params = [{transform_indices = #map}, {transform_indices = #map1}, {transform_indices = #map1}]} {
    %mul3A = arith.constant 2 : i32
    %mul3A_0 = arith.muli %arg1, %mul3A : i32
    %add3A = arith.addi %mul3A_0, %arg0 : i32
    %mul3A_1 = arith.constant 25600 : i32
    %mul3A_2 = arith.muli %add3A, %mul3A_1 : i32
    %mul3A_3 = arith.constant 12800 : i32
    %mul3A_4 = arith.muli %add3A, %mul3A_3 : i32
    "tpu.region"() ({
      %run_scoped3A = tpu.sem_alloc : memref<!tpu.dma_semaphore, #tpu.memory_space<semaphore_mem>>
      %dma_start3A_51 = tpu.memref_slice %arg2[%mul3A_2] : memref<819200xi32, #tpu.memory_space<hbm>> -> memref<25600xi32, #tpu.memory_space<hbm>>
      %dma_start3A_52 = tpu.memref_slice %arg2[%mul3A_2] : memref<819200xi32, #tpu.memory_space<hbm>> -> memref<25600xi32, #tpu.memory_space<hbm>>
      tpu.enqueue_dma source(%dma_start3A_52 : memref<25600xi32, #tpu.memory_space<hbm>>) target(%arg5 : memref<25600xi32, #tpu.memory_space<vmem>>) target_semaphore(%run_scoped3A : memref<!tpu.dma_semaphore, #tpu.memory_space<semaphore_mem>>)
      %dma_wait3A_53 = tpu.memref_slice %arg2[%mul3A_2] : memref<819200xi32, #tpu.memory_space<hbm>> -> memref<25600xi32, #tpu.memory_space<hbm>>
      %dma_wait3A_54 = tpu.memref_slice %arg2[%mul3A_2] : memref<819200xi32, #tpu.memory_space<hbm>> -> memref<25600xi32, #tpu.memory_space<hbm>>
      tpu.wait_dma2 semaphore(%run_scoped3A : memref<!tpu.dma_semaphore, #tpu.memory_space<semaphore_mem>>) src(%dma_wait3A_54 : memref<25600xi32, #tpu.memory_space<hbm>>) dst(%arg5 : memref<25600xi32, #tpu.memory_space<vmem>>)
      tpu.yield
    }) : () -> ()
    %dma_start3A = arith.constant 0 : i32
    %dma_start3A_5 = tpu.memref_slice %arg5[%dma_start3A] : memref<25600xi32, #tpu.memory_space<vmem>> -> memref<200xi32, #tpu.memory_space<vmem>>
    %dma_start3A_6 = arith.constant 0 : i32
    %dma_start3A_7 = arith.constant 0 : i32
    %dma_start3A_8 = tpu.memref_slice %arg3[%dma_start3A_6, %dma_start3A_7] : memref<1000000x64xf32, #tpu.memory_space<hbm>> -> memref<1000000x64xf32, #tpu.memory_space<hbm>>
    tpu.enqueue_indirect_dma source(%dma_start3A_8 : memref<1000000x64xf32, #tpu.memory_space<hbm>>) target(%arg6 : memref<200x64xf32, #tpu.memory_space<vmem>>) offsets(%dma_start3A_5 : memref<200xi32, #tpu.memory_space<vmem>>) semaphore(%arg10 : memref<!tpu.dma_semaphore, #tpu.memory_space<semaphore_mem>>)
    %dma_start3A_9 = arith.constant 200 : i32
    %dma_start3A_10 = tpu.memref_slice %arg5[%dma_start3A_9] : memref<25600xi32, #tpu.memory_space<vmem>> -> memref<200xi32, #tpu.memory_space<vmem>>
    %dma_start3A_11 = arith.constant 0 : i32
    %dma_start3A_12 = arith.constant 0 : i32
    %dma_start3A_13 = tpu.memref_slice %arg3[%dma_start3A_11, %dma_start3A_12] : memref<1000000x64xf32, #tpu.memory_space<hbm>> -> memref<1000000x64xf32, #tpu.memory_space<hbm>>
    tpu.enqueue_indirect_dma source(%dma_start3A_13 : memref<1000000x64xf32, #tpu.memory_space<hbm>>) target(%arg7 : memref<200x64xf32, #tpu.memory_space<vmem>>) offsets(%dma_start3A_10 : memref<200xi32, #tpu.memory_space<vmem>>) semaphore(%arg10 : memref<!tpu.dma_semaphore, #tpu.memory_space<semaphore_mem>>)
    %dma_start3A_14 = arith.constant 400 : i32
    %dma_start3A_15 = tpu.memref_slice %arg5[%dma_start3A_14] : memref<25600xi32, #tpu.memory_space<vmem>> -> memref<200xi32, #tpu.memory_space<vmem>>
    %dma_start3A_16 = arith.constant 0 : i32
    %dma_start3A_17 = arith.constant 0 : i32
    %dma_start3A_18 = tpu.memref_slice %arg3[%dma_start3A_16, %dma_start3A_17] : memref<1000000x64xf32, #tpu.memory_space<hbm>> -> memref<1000000x64xf32, #tpu.memory_space<hbm>>
    tpu.enqueue_indirect_dma source(%dma_start3A_18 : memref<1000000x64xf32, #tpu.memory_space<hbm>>) target(%arg8 : memref<200x64xf32, #tpu.memory_space<vmem>>) offsets(%dma_start3A_15 : memref<200xi32, #tpu.memory_space<vmem>>) semaphore(%arg11 : memref<!tpu.dma_semaphore, #tpu.memory_space<semaphore_mem>>)
    %dma_start3A_19 = arith.constant 600 : i32
    %dma_start3A_20 = tpu.memref_slice %arg5[%dma_start3A_19] : memref<25600xi32, #tpu.memory_space<vmem>> -> memref<200xi32, #tpu.memory_space<vmem>>
    %dma_start3A_21 = arith.constant 0 : i32
    %dma_start3A_22 = arith.constant 0 : i32
    %dma_start3A_23 = tpu.memref_slice %arg3[%dma_start3A_21, %dma_start3A_22] : memref<1000000x64xf32, #tpu.memory_space<hbm>> -> memref<1000000x64xf32, #tpu.memory_space<hbm>>
    tpu.enqueue_indirect_dma source(%dma_start3A_23 : memref<1000000x64xf32, #tpu.memory_space<hbm>>) target(%arg9 : memref<200x64xf32, #tpu.memory_space<vmem>>) offsets(%dma_start3A_20 : memref<200xi32, #tpu.memory_space<vmem>>) semaphore(%arg11 : memref<!tpu.dma_semaphore, #tpu.memory_space<semaphore_mem>>)
    %scan3A = arith.constant 0 : i32
    %scan3A_24 = arith.constant 32 : i32
    %scan3A_25 = arith.addi %scan3A, %scan3A_24 : i32
    %scan3A_26 = arith.constant 1 : i32
    scf.for %scan3A_51 = %scan3A to %scan3A_25 step %scan3A_26  : i32 {
      %mul3A_52 = arith.constant 2 : i32
      %mul3A_53 = arith.muli %scan3A_51, %mul3A_52 : i32
      %add3A_54 = arith.constant 0 : i32
      %add3A_55 = arith.addi %add3A_54, %mul3A_53 : i32
      %add3A_56 = arith.constant 0 : i32
      %add3A_57 = arith.addi %add3A_55, %add3A_56 : i32
      %mul3A_58 = arith.constant 2 : i32
      %mul3A_59 = arith.muli %add3A_57, %mul3A_58 : i32
      %mul3A_60 = arith.constant 200 : i32
      %mul3A_61 = arith.muli %mul3A_59, %mul3A_60 : i32
      %dma_wait3A_62 = tpu.memref_slice %arg5[%mul3A_61] : memref<25600xi32, #tpu.memory_space<vmem>> -> memref<200xi32, #tpu.memory_space<vmem>>
      %dma_wait3A_63 = arith.constant 0 : i32
      %dma_wait3A_64 = arith.constant 0 : i32
      %dma_wait3A_65 = tpu.memref_slice %arg3[%dma_wait3A_63, %dma_wait3A_64] : memref<1000000x64xf32, #tpu.memory_space<hbm>> -> memref<1000000x64xf32, #tpu.memory_space<hbm>>
      tpu.wait_indirect_dma semaphore(%arg10 : memref<!tpu.dma_semaphore, #tpu.memory_space<semaphore_mem>>) src(%dma_wait3A_65 : memref<1000000x64xf32, #tpu.memory_space<hbm>>) dst(%arg6 : memref<200x64xf32, #tpu.memory_space<vmem>>)
      %mul3A_66 = arith.constant 2 : i32
      %mul3A_67 = arith.muli %add3A_57, %mul3A_66 : i32
      %mul3A_68 = arith.constant 200 : i32
      %mul3A_69 = arith.muli %mul3A_67, %mul3A_68 : i32
      %add3A_70 = arith.constant 200 : i32
      %add3A_71 = arith.addi %mul3A_69, %add3A_70 : i32
      %dma_wait3A_72 = tpu.memref_slice %arg5[%add3A_71] : memref<25600xi32, #tpu.memory_space<vmem>> -> memref<200xi32, #tpu.memory_space<vmem>>
      %dma_wait3A_73 = arith.constant 0 : i32
      %dma_wait3A_74 = arith.constant 0 : i32
      %dma_wait3A_75 = tpu.memref_slice %arg3[%dma_wait3A_73, %dma_wait3A_74] : memref<1000000x64xf32, #tpu.memory_space<hbm>> -> memref<1000000x64xf32, #tpu.memory_space<hbm>>
      tpu.wait_indirect_dma semaphore(%arg10 : memref<!tpu.dma_semaphore, #tpu.memory_space<semaphore_mem>>) src(%dma_wait3A_75 : memref<1000000x64xf32, #tpu.memory_space<hbm>>) dst(%arg7 : memref<200x64xf32, #tpu.memory_space<vmem>>)
      %mul3A_76 = arith.constant 200 : i32
      %mul3A_77 = arith.muli %add3A_57, %mul3A_76 : i32
      %add3A_78 = arith.addi %mul3A_4, %mul3A_77 : i32
      %dma_start3A_79 = arith.constant 0 : i32
      %dma_start3A_80 = tpu.memref_slice %arg4[%add3A_78, %dma_start3A_79] : memref<409600x128xf32, #tpu.memory_space<hbm>> -> memref<200x64xf32, #tpu.memory_space<hbm>>
      %dma_start3A_81 = arith.constant 0 : i32
      %dma_start3A_82 = tpu.memref_slice %arg4[%add3A_78, %dma_start3A_81] : memref<409600x128xf32, #tpu.memory_space<hbm>> -> memref<200x64xf32, #tpu.memory_space<hbm>>
      tpu.enqueue_dma source(%arg6 : memref<200x64xf32, #tpu.memory_space<vmem>>) target(%dma_start3A_82 : memref<200x64xf32, #tpu.memory_space<hbm>>) target_semaphore(%arg12 : memref<!tpu.dma_semaphore, #tpu.memory_space<semaphore_mem>>)
      %mul3A_83 = arith.constant 200 : i32
      %mul3A_84 = arith.muli %add3A_57, %mul3A_83 : i32
      %add3A_85 = arith.addi %mul3A_4, %mul3A_84 : i32
      %dma_start3A_86 = arith.constant 64 : i32
      %dma_start3A_87 = tpu.memref_slice %arg4[%add3A_85, %dma_start3A_86] : memref<409600x128xf32, #tpu.memory_space<hbm>> -> memref<200x64xf32, #tpu.memory_space<hbm>>
      %dma_start3A_88 = arith.constant 64 : i32
      %dma_start3A_89 = tpu.memref_slice %arg4[%add3A_85, %dma_start3A_88] : memref<409600x128xf32, #tpu.memory_space<hbm>> -> memref<200x64xf32, #tpu.memory_space<hbm>>
      tpu.enqueue_dma source(%arg7 : memref<200x64xf32, #tpu.memory_space<vmem>>) target(%dma_start3A_89 : memref<200x64xf32, #tpu.memory_space<hbm>>) target_semaphore(%arg12 : memref<!tpu.dma_semaphore, #tpu.memory_space<semaphore_mem>>)
      %add3A_90 = arith.constant 1 : i32
      %add3A_91 = arith.addi %add3A_55, %add3A_90 : i32
      %mul3A_92 = arith.constant 2 : i32
      %mul3A_93 = arith.muli %add3A_91, %mul3A_92 : i32
      %mul3A_94 = arith.constant 200 : i32
      %mul3A_95 = arith.muli %mul3A_93, %mul3A_94 : i32
      %dma_wait3A_96 = tpu.memref_slice %arg5[%mul3A_95] : memref<25600xi32, #tpu.memory_space<vmem>> -> memref<200xi32, #tpu.memory_space<vmem>>
      %dma_wait3A_97 = arith.constant 0 : i32
      %dma_wait3A_98 = arith.constant 0 : i32
      %dma_wait3A_99 = tpu.memref_slice %arg3[%dma_wait3A_97, %dma_wait3A_98] : memref<1000000x64xf32, #tpu.memory_space<hbm>> -> memref<1000000x64xf32, #tpu.memory_space<hbm>>
      tpu.wait_indirect_dma semaphore(%arg11 : memref<!tpu.dma_semaphore, #tpu.memory_space<semaphore_mem>>) src(%dma_wait3A_99 : memref<1000000x64xf32, #tpu.memory_space<hbm>>) dst(%arg8 : memref<200x64xf32, #tpu.memory_space<vmem>>)
      %mul3A_100 = arith.constant 2 : i32
      %mul3A_101 = arith.muli %add3A_91, %mul3A_100 : i32
      %mul3A_102 = arith.constant 200 : i32
      %mul3A_103 = arith.muli %mul3A_101, %mul3A_102 : i32
      %add3A_104 = arith.constant 200 : i32
      %add3A_105 = arith.addi %mul3A_103, %add3A_104 : i32
      %dma_wait3A_106 = tpu.memref_slice %arg5[%add3A_105] : memref<25600xi32, #tpu.memory_space<vmem>> -> memref<200xi32, #tpu.memory_space<vmem>>
      %dma_wait3A_107 = arith.constant 0 : i32
      %dma_wait3A_108 = arith.constant 0 : i32
      %dma_wait3A_109 = tpu.memref_slice %arg3[%dma_wait3A_107, %dma_wait3A_108] : memref<1000000x64xf32, #tpu.memory_space<hbm>> -> memref<1000000x64xf32, #tpu.memory_space<hbm>>
      tpu.wait_indirect_dma semaphore(%arg11 : memref<!tpu.dma_semaphore, #tpu.memory_space<semaphore_mem>>) src(%dma_wait3A_109 : memref<1000000x64xf32, #tpu.memory_space<hbm>>) dst(%arg9 : memref<200x64xf32, #tpu.memory_space<vmem>>)
      %mul3A_110 = arith.constant 200 : i32
      %mul3A_111 = arith.muli %add3A_91, %mul3A_110 : i32
      %add3A_112 = arith.addi %mul3A_4, %mul3A_111 : i32
      %dma_start3A_113 = arith.constant 0 : i32
      %dma_start3A_114 = tpu.memref_slice %arg4[%add3A_112, %dma_start3A_113] : memref<409600x128xf32, #tpu.memory_space<hbm>> -> memref<200x64xf32, #tpu.memory_space<hbm>>
      %dma_start3A_115 = arith.constant 0 : i32
      %dma_start3A_116 = tpu.memref_slice %arg4[%add3A_112, %dma_start3A_115] : memref<409600x128xf32, #tpu.memory_space<hbm>> -> memref<200x64xf32, #tpu.memory_space<hbm>>
      tpu.enqueue_dma source(%arg8 : memref<200x64xf32, #tpu.memory_space<vmem>>) target(%dma_start3A_116 : memref<200x64xf32, #tpu.memory_space<hbm>>) target_semaphore(%arg13 : memref<!tpu.dma_semaphore, #tpu.memory_space<semaphore_mem>>)
      %mul3A_117 = arith.constant 200 : i32
      %mul3A_118 = arith.muli %add3A_91, %mul3A_117 : i32
      %add3A_119 = arith.addi %mul3A_4, %mul3A_118 : i32
      %dma_start3A_120 = arith.constant 64 : i32
      %dma_start3A_121 = tpu.memref_slice %arg4[%add3A_119, %dma_start3A_120] : memref<409600x128xf32, #tpu.memory_space<hbm>> -> memref<200x64xf32, #tpu.memory_space<hbm>>
      %dma_start3A_122 = arith.constant 64 : i32
      %dma_start3A_123 = tpu.memref_slice %arg4[%add3A_119, %dma_start3A_122] : memref<409600x128xf32, #tpu.memory_space<hbm>> -> memref<200x64xf32, #tpu.memory_space<hbm>>
      tpu.enqueue_dma source(%arg9 : memref<200x64xf32, #tpu.memory_space<vmem>>) target(%dma_start3A_123 : memref<200x64xf32, #tpu.memory_space<hbm>>) target_semaphore(%arg13 : memref<!tpu.dma_semaphore, #tpu.memory_space<semaphore_mem>>)
      %add3A_124 = arith.constant 0 : i32
      %add3A_125 = arith.addi %add3A_55, %add3A_124 : i32
      %add3A_126 = arith.constant 2 : i32
      %add3A_127 = arith.addi %add3A_125, %add3A_126 : i32
      %lt3A = arith.constant 64 : i32
      %lt3A_128 = arith.cmpi slt, %add3A_127, %lt3A : i32
      %convert_element_type3A = arith.extui %lt3A_128 : i1 to i32
      %cond3A = arith.constant 0 : i32
      %cond3A_129 = arith.cmpi ne, %convert_element_type3A, %cond3A : i32
      scf.if %cond3A_129 {
        %add3A_139 = arith.constant 0 : i32
        %add3A_140 = arith.addi %add3A_55, %add3A_139 : i32
        %mul3A_141 = arith.constant 200 : i32
        %mul3A_142 = arith.muli %add3A_140, %mul3A_141 : i32
        %add3A_143 = arith.addi %mul3A_4, %mul3A_142 : i32
        %dma_wait3A_144 = arith.constant 0 : i32
        %dma_wait3A_145 = tpu.memref_slice %arg4[%add3A_143, %dma_wait3A_144] : memref<409600x128xf32, #tpu.memory_space<hbm>> -> memref<200x64xf32, #tpu.memory_space<hbm>>
        %dma_wait3A_146 = arith.constant 0 : i32
        %dma_wait3A_147 = tpu.memref_slice %arg4[%add3A_143, %dma_wait3A_146] : memref<409600x128xf32, #tpu.memory_space<hbm>> -> memref<200x64xf32, #tpu.memory_space<hbm>>
        tpu.wait_dma2 semaphore(%arg12 : memref<!tpu.dma_semaphore, #tpu.memory_space<semaphore_mem>>) src(%arg6 : memref<200x64xf32, #tpu.memory_space<vmem>>) dst(%dma_wait3A_147 : memref<200x64xf32, #tpu.memory_space<hbm>>)
        %add3A_148 = arith.constant 0 : i32
        %add3A_149 = arith.addi %add3A_55, %add3A_148 : i32
        %mul3A_150 = arith.constant 200 : i32
        %mul3A_151 = arith.muli %add3A_149, %mul3A_150 : i32
        %add3A_152 = arith.addi %mul3A_4, %mul3A_151 : i32
        %dma_wait3A_153 = arith.constant 64 : i32
        %dma_wait3A_154 = tpu.memref_slice %arg4[%add3A_152, %dma_wait3A_153] : memref<409600x128xf32, #tpu.memory_space<hbm>> -> memref<200x64xf32, #tpu.memory_space<hbm>>
        %dma_wait3A_155 = arith.constant 64 : i32
        %dma_wait3A_156 = tpu.memref_slice %arg4[%add3A_152, %dma_wait3A_155] : memref<409600x128xf32, #tpu.memory_space<hbm>> -> memref<200x64xf32, #tpu.memory_space<hbm>>
        tpu.wait_dma2 semaphore(%arg12 : memref<!tpu.dma_semaphore, #tpu.memory_space<semaphore_mem>>) src(%arg7 : memref<200x64xf32, #tpu.memory_space<vmem>>) dst(%dma_wait3A_156 : memref<200x64xf32, #tpu.memory_space<hbm>>)
        %mul3A_157 = arith.constant 2 : i32
        %mul3A_158 = arith.muli %add3A_127, %mul3A_157 : i32
        %mul3A_159 = arith.constant 200 : i32
        %mul3A_160 = arith.muli %mul3A_158, %mul3A_159 : i32
        %dma_start3A_161 = tpu.memref_slice %arg5[%mul3A_160] : memref<25600xi32, #tpu.memory_space<vmem>> -> memref<200xi32, #tpu.memory_space<vmem>>
        %dma_start3A_162 = arith.constant 0 : i32
        %dma_start3A_163 = arith.constant 0 : i32
        %dma_start3A_164 = tpu.memref_slice %arg3[%dma_start3A_162, %dma_start3A_163] : memref<1000000x64xf32, #tpu.memory_space<hbm>> -> memref<1000000x64xf32, #tpu.memory_space<hbm>>
        tpu.enqueue_indirect_dma source(%dma_start3A_164 : memref<1000000x64xf32, #tpu.memory_space<hbm>>) target(%arg6 : memref<200x64xf32, #tpu.memory_space<vmem>>) offsets(%dma_start3A_161 : memref<200xi32, #tpu.memory_space<vmem>>) semaphore(%arg10 : memref<!tpu.dma_semaphore, #tpu.memory_space<semaphore_mem>>)
        %mul3A_165 = arith.constant 2 : i32
        %mul3A_166 = arith.muli %add3A_127, %mul3A_165 : i32
        %mul3A_167 = arith.constant 200 : i32
        %mul3A_168 = arith.muli %mul3A_166, %mul3A_167 : i32
        %add3A_169 = arith.constant 200 : i32
        %add3A_170 = arith.addi %mul3A_168, %add3A_169 : i32
        %dma_start3A_171 = tpu.memref_slice %arg5[%add3A_170] : memref<25600xi32, #tpu.memory_space<vmem>> -> memref<200xi32, #tpu.memory_space<vmem>>
        %dma_start3A_172 = arith.constant 0 : i32
        %dma_start3A_173 = arith.constant 0 : i32
        %dma_start3A_174 = tpu.memref_slice %arg3[%dma_start3A_172, %dma_start3A_173] : memref<1000000x64xf32, #tpu.memory_space<hbm>> -> memref<1000000x64xf32, #tpu.memory_space<hbm>>
        tpu.enqueue_indirect_dma source(%dma_start3A_174 : memref<1000000x64xf32, #tpu.memory_space<hbm>>) target(%arg7 : memref<200x64xf32, #tpu.memory_space<vmem>>) offsets(%dma_start3A_171 : memref<200xi32, #tpu.memory_space<vmem>>) semaphore(%arg10 : memref<!tpu.dma_semaphore, #tpu.memory_space<semaphore_mem>>)
      } else {
      }
      %add3A_130 = arith.constant 1 : i32
      %add3A_131 = arith.addi %add3A_55, %add3A_130 : i32
      %add3A_132 = arith.constant 2 : i32
      %add3A_133 = arith.addi %add3A_131, %add3A_132 : i32
      %lt3A_134 = arith.constant 64 : i32
      %lt3A_135 = arith.cmpi slt, %add3A_133, %lt3A_134 : i32
      %convert_element_type3A_136 = arith.extui %lt3A_135 : i1 to i32
      %cond3A_137 = arith.constant 0 : i32
      %cond3A_138 = arith.cmpi ne, %convert_element_type3A_136, %cond3A_137 : i32
      scf.if %cond3A_138 {
        %add3A_139 = arith.constant 1 : i32
        %add3A_140 = arith.addi %add3A_55, %add3A_139 : i32
        %mul3A_141 = arith.constant 200 : i32
        %mul3A_142 = arith.muli %add3A_140, %mul3A_141 : i32
        %add3A_143 = arith.addi %mul3A_4, %mul3A_142 : i32
        %dma_wait3A_144 = arith.constant 0 : i32
        %dma_wait3A_145 = tpu.memref_slice %arg4[%add3A_143, %dma_wait3A_144] : memref<409600x128xf32, #tpu.memory_space<hbm>> -> memref<200x64xf32, #tpu.memory_space<hbm>>
        %dma_wait3A_146 = arith.constant 0 : i32
        %dma_wait3A_147 = tpu.memref_slice %arg4[%add3A_143, %dma_wait3A_146] : memref<409600x128xf32, #tpu.memory_space<hbm>> -> memref<200x64xf32, #tpu.memory_space<hbm>>
        tpu.wait_dma2 semaphore(%arg13 : memref<!tpu.dma_semaphore, #tpu.memory_space<semaphore_mem>>) src(%arg8 : memref<200x64xf32, #tpu.memory_space<vmem>>) dst(%dma_wait3A_147 : memref<200x64xf32, #tpu.memory_space<hbm>>)
        %add3A_148 = arith.constant 1 : i32
        %add3A_149 = arith.addi %add3A_55, %add3A_148 : i32
        %mul3A_150 = arith.constant 200 : i32
        %mul3A_151 = arith.muli %add3A_149, %mul3A_150 : i32
        %add3A_152 = arith.addi %mul3A_4, %mul3A_151 : i32
        %dma_wait3A_153 = arith.constant 64 : i32
        %dma_wait3A_154 = tpu.memref_slice %arg4[%add3A_152, %dma_wait3A_153] : memref<409600x128xf32, #tpu.memory_space<hbm>> -> memref<200x64xf32, #tpu.memory_space<hbm>>
        %dma_wait3A_155 = arith.constant 64 : i32
        %dma_wait3A_156 = tpu.memref_slice %arg4[%add3A_152, %dma_wait3A_155] : memref<409600x128xf32, #tpu.memory_space<hbm>> -> memref<200x64xf32, #tpu.memory_space<hbm>>
        tpu.wait_dma2 semaphore(%arg13 : memref<!tpu.dma_semaphore, #tpu.memory_space<semaphore_mem>>) src(%arg9 : memref<200x64xf32, #tpu.memory_space<vmem>>) dst(%dma_wait3A_156 : memref<200x64xf32, #tpu.memory_space<hbm>>)
        %mul3A_157 = arith.constant 2 : i32
        %mul3A_158 = arith.muli %add3A_133, %mul3A_157 : i32
        %mul3A_159 = arith.constant 200 : i32
        %mul3A_160 = arith.muli %mul3A_158, %mul3A_159 : i32
        %dma_start3A_161 = tpu.memref_slice %arg5[%mul3A_160] : memref<25600xi32, #tpu.memory_space<vmem>> -> memref<200xi32, #tpu.memory_space<vmem>>
        %dma_start3A_162 = arith.constant 0 : i32
        %dma_start3A_163 = arith.constant 0 : i32
        %dma_start3A_164 = tpu.memref_slice %arg3[%dma_start3A_162, %dma_start3A_163] : memref<1000000x64xf32, #tpu.memory_space<hbm>> -> memref<1000000x64xf32, #tpu.memory_space<hbm>>
        tpu.enqueue_indirect_dma source(%dma_start3A_164 : memref<1000000x64xf32, #tpu.memory_space<hbm>>) target(%arg8 : memref<200x64xf32, #tpu.memory_space<vmem>>) offsets(%dma_start3A_161 : memref<200xi32, #tpu.memory_space<vmem>>) semaphore(%arg11 : memref<!tpu.dma_semaphore, #tpu.memory_space<semaphore_mem>>)
        %mul3A_165 = arith.constant 2 : i32
        %mul3A_166 = arith.muli %add3A_133, %mul3A_165 : i32
        %mul3A_167 = arith.constant 200 : i32
        %mul3A_168 = arith.muli %mul3A_166, %mul3A_167 : i32
        %add3A_169 = arith.constant 200 : i32
        %add3A_170 = arith.addi %mul3A_168, %add3A_169 : i32
        %dma_start3A_171 = tpu.memref_slice %arg5[%add3A_170] : memref<25600xi32, #tpu.memory_space<vmem>> -> memref<200xi32, #tpu.memory_space<vmem>>
        %dma_start3A_172 = arith.constant 0 : i32
        %dma_start3A_173 = arith.constant 0 : i32
        %dma_start3A_174 = tpu.memref_slice %arg3[%dma_start3A_172, %dma_start3A_173] : memref<1000000x64xf32, #tpu.memory_space<hbm>> -> memref<1000000x64xf32, #tpu.memory_space<hbm>>
        tpu.enqueue_indirect_dma source(%dma_start3A_174 : memref<1000000x64xf32, #tpu.memory_space<hbm>>) target(%arg9 : memref<200x64xf32, #tpu.memory_space<vmem>>) offsets(%dma_start3A_171 : memref<200xi32, #tpu.memory_space<vmem>>) semaphore(%arg11 : memref<!tpu.dma_semaphore, #tpu.memory_space<semaphore_mem>>)
      } else {
      }
    }
    %scan3A_27 = arith.constant 32 : i32
    %add3A_28 = arith.constant 12400 : i32
    %add3A_29 = arith.addi %mul3A_4, %add3A_28 : i32
    %dma_wait3A = arith.constant 0 : i32
    %dma_wait3A_30 = tpu.memref_slice %arg4[%add3A_29, %dma_wait3A] : memref<409600x128xf32, #tpu.memory_space<hbm>> -> memref<200x64xf32, #tpu.memory_space<hbm>>
    %dma_wait3A_31 = arith.constant 0 : i32
    %dma_wait3A_32 = tpu.memref_slice %arg4[%add3A_29, %dma_wait3A_31] : memref<409600x128xf32, #tpu.memory_space<hbm>> -> memref<200x64xf32, #tpu.memory_space<hbm>>
    tpu.wait_dma2 semaphore(%arg12 : memref<!tpu.dma_semaphore, #tpu.memory_space<semaphore_mem>>) src(%arg6 : memref<200x64xf32, #tpu.memory_space<vmem>>) dst(%dma_wait3A_32 : memref<200x64xf32, #tpu.memory_space<hbm>>)
    %add3A_33 = arith.constant 12400 : i32
    %add3A_34 = arith.addi %mul3A_4, %add3A_33 : i32
    %dma_wait3A_35 = arith.constant 64 : i32
    %dma_wait3A_36 = tpu.memref_slice %arg4[%add3A_34, %dma_wait3A_35] : memref<409600x128xf32, #tpu.memory_space<hbm>> -> memref<200x64xf32, #tpu.memory_space<hbm>>
    %dma_wait3A_37 = arith.constant 64 : i32
    %dma_wait3A_38 = tpu.memref_slice %arg4[%add3A_34, %dma_wait3A_37] : memref<409600x128xf32, #tpu.memory_space<hbm>> -> memref<200x64xf32, #tpu.memory_space<hbm>>
    tpu.wait_dma2 semaphore(%arg12 : memref<!tpu.dma_semaphore, #tpu.memory_space<semaphore_mem>>) src(%arg7 : memref<200x64xf32, #tpu.memory_space<vmem>>) dst(%dma_wait3A_38 : memref<200x64xf32, #tpu.memory_space<hbm>>)
    %add3A_39 = arith.constant 12600 : i32
    %add3A_40 = arith.addi %mul3A_4, %add3A_39 : i32
    %dma_wait3A_41 = arith.constant 0 : i32
    %dma_wait3A_42 = tpu.memref_slice %arg4[%add3A_40, %dma_wait3A_41] : memref<409600x128xf32, #tpu.memory_space<hbm>> -> memref<200x64xf32, #tpu.memory_space<hbm>>
    %dma_wait3A_43 = arith.constant 0 : i32
    %dma_wait3A_44 = tpu.memref_slice %arg4[%add3A_40, %dma_wait3A_43] : memref<409600x128xf32, #tpu.memory_space<hbm>> -> memref<200x64xf32, #tpu.memory_space<hbm>>
    tpu.wait_dma2 semaphore(%arg13 : memref<!tpu.dma_semaphore, #tpu.memory_space<semaphore_mem>>) src(%arg8 : memref<200x64xf32, #tpu.memory_space<vmem>>) dst(%dma_wait3A_44 : memref<200x64xf32, #tpu.memory_space<hbm>>)
    %add3A_45 = arith.constant 12600 : i32
    %add3A_46 = arith.addi %mul3A_4, %add3A_45 : i32
    %dma_wait3A_47 = arith.constant 64 : i32
    %dma_wait3A_48 = tpu.memref_slice %arg4[%add3A_46, %dma_wait3A_47] : memref<409600x128xf32, #tpu.memory_space<hbm>> -> memref<200x64xf32, #tpu.memory_space<hbm>>
    %dma_wait3A_49 = arith.constant 64 : i32
    %dma_wait3A_50 = tpu.memref_slice %arg4[%add3A_46, %dma_wait3A_49] : memref<409600x128xf32, #tpu.memory_space<hbm>> -> memref<200x64xf32, #tpu.memory_space<hbm>>
    tpu.wait_dma2 semaphore(%arg13 : memref<!tpu.dma_semaphore, #tpu.memory_space<semaphore_mem>>) src(%arg9 : memref<200x64xf32, #tpu.memory_space<vmem>>) dst(%dma_wait3A_50 : memref<200x64xf32, #tpu.memory_space<hbm>>)
    return
  }
}

</mosaic_0001>

<sc_bundles>
// kernel: _embed.3.cloned.1.call-start
scs
__scs_entry_jumppad:
0x0: {  	(pc) =	sbr.rel $0x88, $3  }
0x1: {  	(tag) =	ssettag $0x0;
	lr =	simm.s32 $0x1  }
0x2: {  	[smem:$0x3F9F] =	sst lr;
	_ =	strace $0xD0000000  }
0x3: {  	_ = 	snop  }
0x4: {  	_ = 	snop  }
0x5: {  	_ = 	snop  }
0x6: {  	_ = 	snop  }
0x7: {  	_ = 	snop  }
__scs_overlays_trampoline_lowered:
0x8: {  	[smem:$0x3FAE] =	sst s0  }
0x9: {  	[smem:$0x3FAF] =	sst s1  }
0xa: {  	[smem:$0x3FB0] =	sst s2  }
0xb: {  	[smem:$0x3FB1] =	sst s3  }
0xc: {  	[smem:$0x3FB2] =	sst s4  }
0xd: {  	[smem:$0x3FB3] =	sst s5  }
0xe: {  	[smem:$0x3FB4] =	sst s6  }
0xf: {  	[smem:$0x3FB5] =	sst s7  }
0x10: {  	[smem:$0x3FB6] =	sst s8  }
0x11: {  	[smem:$0x3FB7] =	sst s9;
	s0 =	simm.s32 @!p0 $0x0  }
0x12: {  	s1 =	sld [smem:$0x3F9D];
	s0 =	simm.s32 @p0 $0x1  }
0x13: {  	[smem:$0x3FB8] =	sst s0;
	s0 =	simm.s32 @!p1 $0x0  }
0x14: {  	s2 =	sld [smem:$0x3F9C];
	s0 =	simm.s32 @p1 $0x1  }
0x15: {  	[smem:$0x3FB9] =	sst s0;
	s0 =	simm.s32 @!p2 $0x0  }
0x16: {  	s3 =	sld [smem:$0x3FDB];
	s0 =	simm.s32 @p2 $0x1  }
0x17: {  	s4 =	simm.s32 $0x1BF5;
	[smem:$0x3FBB] =	sst s0  }
0x18: {  	s0 =	sld [smem:$0x3F9E];
	_ =	swait.ge [sflag:s4], $0x0  }
0x19: {  	s7 =	sld [smem:$0x3F9F]  }
0x1a: {  	s8 =	sadd.s32 $0xFFFFE003, lr  }
0x1b: {  	s9 =	sadd.s32 $0xFFFFFEF7, lr;
	s5 =	simm.s32 $0xFFFFFFFF;
	p2 =	slt.u32 s8, $0xFFFFF086  }
0x1c: {  	p1 =	slt.u32 s9, $0xF7A;
	s5 =	simm.s32 @!p2 $0x0  }
0x1d: {  	s5 =	simm.s32 @p1 $0x1;
	p0 =	seq.s32 s7, s2  }
0x1e: {  	s7 =	smul.u32 @!p0 $0xF7A, s2;
	p2 =	seq.s32 @!p0 s5, $0x0  }
0x1f: {  	s9 =	smul.u32 $0xF7A, s1;
	s8 =	simm.s32 @!p0 $0x1BF5;
	p2 =	por !p2, p0  }
0x20: {  	[sflag:s8] =	ssyncset.s32 @!p0 $0xFFFFF086;
	s6 =	sadd.s32 @!p0 s3, s7;
	s7 =	simm.s32 @!p0 $0x108  }
0x21: {  	s3 =	sadd.s32 s3, s9;
	s6 =	sadd.s32 @!p0 $0x88, s6;
	s7 =	simm.s32 @p2 $0x1082  }
0x22: {  	[simem:s7], [sflag:s8] =	dma.local @!p0 [hbm:s6], $0xF7A  }
0x23: {  	s9 =	sor.u32 $0xD0000000, s2;
	s6 =	simm.s32 $0x108;
	_ =	swait.ge @!p0 [sflag:s8], $0x0  }
0x24: {  	s3 =	sadd.s32 $0x88, s3;
	s6 =	simm.s32 @!p1 $0x1082;
	[sflag:s4] =	ssyncset.s32 $0xFFFFF086  }
0x25: {  	[simem:s6], [sflag:s4] =	dma.local [hbm:s3], $0xF7A  }
0x26: {  	[smem:$0x3F9F] =	sst s1;
	(tag) =	ssettag s2;
	_ =	strace s9  }
0x27: {  	s1 =	sld [smem:$0x3FAF]  }
0x28: {  	s2 =	sld [smem:$0x3FB0]  }
0x29: {  	s4 =	sld [smem:$0x3FB2]  }
0x2a: {  	p0 =	seq.s32 s5, $0x0;
	s5 =	sld [smem:$0x3FB3]  }
0x2b: {  	s6 =	sld [smem:$0x3FB4]  }
0x2c: {  	s7 =	sld [smem:$0x3FB5]  }
0x2d: {  	s3 =	simm.s32 $0x108;
	s8 =	sld [smem:$0x3FB6]  }
0x2e: {  	s3 =	simm.s32 @!p0 $0x1082;
	s9 =	sld [smem:$0x3FB7]  }
0x2f: {  	lr =	sadd.s32 s0, s3;
	s0 =	sld [smem:$0x3FAE]  }
0x30: {  	s3 =	sld [smem:$0x3FB1]  }
0x31: {  	[smem:$0x3FBA] =	sst s10  }
0x32: {  	s10 =	sld [smem:$0x3FB8];
	_ =	sdelay $0x3  }
0x33: {  	p0 =	seq.s32 s10, $0x1;
	s10 =	sld [smem:$0x3FBA];
	_ =	sdelay $0x3  }
0x34: {  	[smem:$0x3FBA] =	sst s10  }
0x35: {  	s10 =	sld [smem:$0x3FB9];
	_ =	sdelay $0x3  }
0x36: {  	p1 =	seq.s32 s10, $0x1;
	s10 =	sld [smem:$0x3FBA];
	_ =	sdelay $0x3  }
0x37: {  	[smem:$0x3FBA] =	sst s10  }
0x38: {  	s10 =	sld [smem:$0x3FBB]  }
0x39: {  	_ = 	snop;
	(pc) =	sbr.ind lr, $3  }
0x3a: {  	_ = 	snop  }
0x3b: {  	_ = 	snop  }
0x3c: {  	p2 =	seq.s32 s10, $0x1;
	s10 =	sld [smem:$0x3FBA]  }
0x3d: {  	_ =	shalt  }
0x3e: {  	_ =	shalt  }
0x3f: {  	_ =	shalt  }
0x40: {  	_ =	shalt  }
0x41: {  	_ =	shalt  }
0x42: {  	_ =	shalt  }
0x43: {  	_ =	shalt  }
0x44: {  	_ =	shalt  }
0x45: {  	_ =	shalt  }
0x46: {  	_ =	shalt  }
0x47: {  	_ =	shalt  }
0x48: {  	_ =	shalt  }
0x49: {  	_ =	shalt  }
0x4a: {  	_ =	shalt  }
0x4b: {  	_ =	shalt  }
0x4c: {  	_ =	shalt  }
0x4d: {  	_ =	shalt  }
0x4e: {  	_ =	shalt  }
0x4f: {  	_ =	shalt  }
0x50: {  	_ =	shalt  }
0x51: {  	_ =	shalt  }
0x52: {  	_ =	shalt  }
0x53: {  	_ =	shalt  }
0x54: {  	_ =	shalt  }
0x55: {  	_ =	shalt  }
0x56: {  	_ =	shalt  }
0x57: {  	_ =	shalt  }
0x58: {  	_ =	shalt  }
0x59: {  	_ =	shalt  }
0x5a: {  	_ =	shalt  }
0x5b: {  	_ =	shalt  }
0x5c: {  	_ =	shalt  }
0x5d: {  	_ =	shalt  }
0x5e: {  	_ =	shalt  }
0x5f: {  	_ =	shalt  }
0x60: {  	_ =	shalt  }
0x61: {  	_ =	shalt  }
0x62: {  	_ =	shalt  }
0x63: {  	_ =	shalt  }
0x64: {  	_ =	shalt  }
0x65: {  	_ =	shalt  }
0x66: {  	_ =	shalt  }
0x67: {  	_ =	shalt  }
0x68: {  	_ =	shalt  }
0x69: {  	_ =	shalt  }
0x6a: {  	_ =	shalt  }
0x6b: {  	_ =	shalt  }
0x6c: {  	_ =	shalt  }
0x6d: {  	_ =	shalt  }
0x6e: {  	_ =	shalt  }
0x6f: {  	_ =	shalt  }
0x70: {  	_ =	shalt  }
0x71: {  	_ =	shalt  }
0x72: {  	_ =	shalt  }
0x73: {  	_ =	shalt  }
0x74: {  	_ =	shalt  }
0x75: {  	_ =	shalt  }
0x76: {  	_ =	shalt  }
0x77: {  	_ =	shalt  }
0x78: {  	_ =	shalt  }
0x79: {  	_ =	shalt  }
0x7a: {  	_ =	shalt  }
0x7b: {  	_ =	shalt  }
0x7c: {  	_ =	shalt  }
0x7d: {  	_ =	shalt  }
0x7e: {  	_ =	shalt  }
0x7f: {  	_ =	shalt  }
0x80: {  	_ =	shalt  }
0x81: {  	_ =	shalt  }
0x82: {  	_ =	shalt  }
0x83: {  	_ =	shalt  }
0x84: {  	_ =	shalt  }
0x85: {  	_ =	shalt  }
0x86: {  	_ =	shalt  }
0x87: {  	_ =	shalt  }
.Lfunc_end0:
.L_simem_size_0:
called_computation.1_lowered:
.L_overlay_start_0:
0x88: {  	s2 =	sld [smem:$0x3FD9]  }
0x89: {  	s3 =	sld [smem:$0x3FFE];
	_ =	sdelay $0x1  }
0x8a: {  	s1 =	srdreg.scid  }
0x8b: {  	s0 =	sand.u32 $0x1, s1  }
0x8c: {  	s17 =	sshll.u32 s0, $0xA;
	s2 =	sadd.s32 s3, s2  }
0x8d: {  	s2 =	sadd.s32 s2, s17  }
0x8e: {  	[smem:$0x3FC6] =	sst s2  }
0x8f: {  	_ = 	snop  }
0x90: {  	s2 =	sld [smem:$0x3FC9]  }
0x91: {  	s18 =	sld [smem:$0x3FD0];
	(tm) =	ssettm $0x1  }
0x92: {  	s4 =	sld [smem:$0x3FFB];
	_ =	sdelay $0x3  }
0x93: {  	_ =	strace s4  }
0x94: {  	s4 =	sld [smem:$0x3FFC];
	_ =	sdelay $0x3  }
0x95: {  	_ =	strace s4  }
0x96: {  	s4 =	sld [smem:$0x3FFD];
	_ =	sdelay $0x3  }
0x97: {  	_ =	strace s4  }
0x98: {  	_ =	strace $0x8FFFFFFF  }
0x99: {  	s19 =	sld [smem:$0x3FDB];
	_ =	sdelay $0x1  }
0x9a: {  	s5 =	simm.s32 $_scs_section_size  }
0x9b: {  	s6 =	simm.s32 $_size__tile_overlayer_lowered;
	s7 =	simm.s32 $_tile_overlayer_lowered  }
0x9c: {  	s22 =	simm.s32 $0x1BFF;
	s21 =	sshll.u32 s7, $0x1;
	s4 =	sadd.s32 s5, s19  }
0x9d: {  	s8 =	simm.s32 $0x0;
	s20 =	sshll.u32 s6, $0x1;
	s6 =	sadd.s32 s21, s4  }
0x9e: {  	[timem:s8], [sflag:s22] =	dma.local [hbm:s6], s20  }
0x9f: {  	_ =	swait.ge [sflag:s22], s20  }
0xa0: {  	s5 =	ssub.s32 $0x0, s20;
	[sflag:s22] =	ssyncset.done $0x0  }
0xa1: {  	[sflag:s22] =	ssyncadd.s32 s5;
	_ =	sdelay $0x1  }
0xa2: {  	s23 =	simm.s32 $0x1B8B  }
0xa3: {  	_ =	swait.ge [sflag:s23], $0x1  }
0xa4: {  	[sflag:s23] =	ssyncset.done $0x0  }
0xa5: {  	s25 =	simm.s32 $0x1B8E;
	s24 =	sld [smem:$0x3FFE];
	[sflag:s23] =	ssyncadd.s32 $0xFFFFFFFF  }
0xa6: {  	s26 =	simm.s32 $execute0_lowered;
	[smem:$0x3FD2] =	sst s25  }
0xa7: {  	s6 =	sshll.u32 s26, $0x1;
	_ =	strace $0x80000046;
	[dreg:$0x1] =	wrdreg $0xFFFFFFFF  }
0xa8: {  	s28 =	simm.s32 $_size_execute0_lowered;
	s4 =	sadd.s32 s4, s6;
	[dreg:$0x0] =	wrdreg $0x0  }
0xa9: {  	s6 =	sshll.u32 s28, $0x1;
	[dreg:$0x2] =	wrdreg s4  }
0xaa: {  	[dreg:$0x3] =	wrdreg s6  }
0xab: {  	[dreg:$0x4] =	wrdreg $0xC0  }
0xac: {  	_ =	task [dreg:s8], $0x5FFFF  }
0xad: {  	[dreg:$0x1] =	wrdreg $0xFFFFFFFF  }
0xae: {  	[dreg:$0x0] =	wrdreg $0x60  }
0xaf: {  	[dreg:$0x2] =	wrdreg s2  }
0xb0: {  	[dreg:$0x3] =	wrdreg s24  }
0xb1: {  	[dreg:$0x4] =	wrdreg s18  }
0xb2: {  	[dreg:$0x5] =	wrdreg $0x9  }
0xb3: {  	_ =	task.clear_ibuf [dreg:s8], $0x6FFFF;
	_ =	strace $0x90000046  }
0xb4: {  	s29 =	simm.s32 $0x9;
	_ =	strace $0x80000048  }
0xb5: {  	_ =	swait.ge [sflag:s29], $0x1  }
0xb6: {  	[sflag:s29] =	ssyncadd.s32 $0xFFFFFFFF  }
0xb7: {  	_ =	strace $0x90000048  }
0xb8: {  	_ =	sfence  }
0xb9: {  	s30 =	sld [smem:$0x0];
	_ =	sdelay $0x2  }
0xba: {  	s31 =	sshll.u32 s1, $0xD;
	s1 =	sshrl.u32 s1, $0x2  }
0xbb: {  	s3 =	sand.u32 $0x4000, s31;
	s1 =	sadd.s32 s1, s30  }
0xbc: {  	s0 =	sor.u32 s3, s0;
	s1 =	sshll.u32 s1, $0x11  }
0xbd: {  	s0 =	sor.u32 s1, s0  }
0xbe: {  	s0 =	sadd.s32 $0x8F2B, s0  }
0xbf: {  	[sflag:s0] =	ssyncadd.remote.s32 $0x1  }
0xc0: {  	_ =	sfence.sel $0xFFFF  }
0xc1: {  	[dreg:$0x0] =	wrdreg $0xFFFFFFFF;
	(pc) =	sbr.abs _section_cstart, $3  }
0xc2: {  	[dreg:$0x1] =	wrdreg $0xFFFFFFFF  }
0xc3: {  	_ =	task.clear_ibuf [dreg:s8], $0x2FFFF;
	_ =	strace $0x9FFFFFFF  }
0xc4: {  	(tm) =	ssettm $0x7FFFFFFF  }
0xc5: {  	_ =	shalt  }
tec
execute0_lowered:
.L_overlay_start_1:
0x0: {  	(tag) =	ssettag $0x1  }
0x1: {  	s4 =	rddreg [dreg:$0x0]  }
0x2: {  	s3 =	rddreg [dreg:$0x1]  }
0x3: {  	s8 =	rddreg [dreg:$0x2]  }
0x4: {  	s0 =	rddreg [dreg:$0x3];
	s5 =	srdreg.scid  }
0x5: {  	s1 =	stileid.u32;
	s2 =	simm.s32 $0x0;
	s14 =	simm.s32 $0x9600  }
0x6: {  	s15 =	simm.s32 $0x190;
	s16 =	simm.s32 $0xC800;
	s17 =	simm.s32 $0x258  }
0x7: {  	s18 =	simm.s32 $0xFA00;
	s19 =	simm.s32 $0x1;
	s20 =	simm.s32 $0x40  }
0x8: {  	s21 =	simm.s32 $0x80;
	s22 =	simm.s32 $0x2;
	s23 =	simm.s32 $0x3  }
0x9: {  	s24 =	simm.s32 $0x4;
	s5 =	sand.u32 $0x1, s5;
	s6 =	sshll.u32 s1, $0x1  }
0xa: {  	[smem:$0x7FF] =	sst s2;
	s3 =	sadd.s32 $0xF42C00, s3;
	s26 =	smul.u32 $0x64000, s1  }
0xb: {  	s28 =	sadd.s32 $0x8, s8;
	s6 =	sor.u32 s5, s6;
	s12 =	smul.u32 $0x32000, s5  }
0xc: {  	_ =	strace $0x80000047;
	s7 =	ssub.s32 $0x2, s5;
	s9 =	smul.u32 $0xC80, s6  }
0xd: {  	s10 =	sshrl.u32 s7, $0x1;
	s11 =	smul.u32 $0x32000, s6;
	s13 =	sadd.s32 s26, s8  }
0xe: {  	s25 =	ssub.s32 s7, s10;
	s31 =	sadd.s32 s12, s13;
	s12 =	simm.s32 $0xC8  }
0xf: {  	s13 =	simm.s32 $0x6400;
	s4 =	sadd.s32 s4, s9;
	s29 =	sadd.s32 $0x30700, s11  }
0x10: {  	s5 =	smax.u32 s25, $0x1;
	s30 =	sadd.s32 $0x31380, s11;
	s10 =	sadd.s32 $0xC88, s31  }
0x11: {  	s11 =	simm.s32 $0x5;
	s25 =	simm.s32 $0x0;
	s6 =	sadd.s32 s8, s29  }
0x12: {  	s7 =	sadd.s32 s29, s28;
	s8 =	sadd.s32 s8, s30;
	s9 =	sadd.s32 s30, s28  }
.LBB2_1:
0x13: {  	[tilespmem:s2], [sflag:$0x5] =	stream.linear.gather [hbm4b:s4+s2], $0x6400, $0x38;
	[tilespmem:$0x12C00] =	vst v63  }
0x14: {  	_ =	swait.ge [sflag:s11], $0x6400  }
0x15: {  	[sflag:s11] =	ssyncset.done $0x0  }
0x16: {  	[sflag:s11] =	ssyncadd.s32 $0xFFFF9C00  }
0x17: {  	[tilespmem:s13], [sflag:$0x1] =	stream.indirect.gather [hbm4b:s3+s12], $0x40, s2, s12, $0xb8;
	[tilespmem:$0x12C00] =	vst v63  }
0x18: {  	_ = 	snop  }
0x19: {  	[tilespmem:s14], [sflag:$0x1] =	stream.indirect.gather [hbm4b:s3+s12], $0x40, s12, s12, $0xb8;
	[tilespmem:$0x12C00] =	vst v63  }
0x1a: {  	_ = 	snop  }
0x1b: {  	[tilespmem:s16], [sflag:$0x2] =	stream.indirect.gather [hbm4b:s3+s12], $0x40, s15, s12, $0xb8;
	[tilespmem:$0x12C00] =	vst v63  }
0x1c: {  	_ = 	snop  }
0x1d: {  	[tilespmem:s18], [sflag:$0x2] =	stream.indirect.gather [hbm4b:s3+s12], $0x40, s17, s12, $0xb8;
	[tilespmem:$0x12C00] =	vst v63  }
0x1e: {  	_ =	swait.ge [sflag:s19], $0x3200  }
0x1f: {  	[sflag:s19] =	ssyncset.done $0x0  }
0x20: {  	[sflag:s19] =	ssyncadd.s32 $0xFFFFCE00  }
0x21: {  	_ =	swait.ge [sflag:s19], $0x3200  }
0x22: {  	[sflag:s19] =	ssyncset.done $0x0  }
0x23: {  	s26 =	sadd.s32 $0xFFFFF378, s10;
	[sflag:s19] =	ssyncadd.s32 $0xFFFFCE00  }
0x24: {  	[hbm4b:s26+s20] =	stream.strided.scatter [tilespmem:s13], [sflag:$0x3], $0x3200, s21, s20, $0x38;
	[tilespmem:$0x12C00] =	vst v63  }
0x25: {  	s31 =	sadd.s32 $0xFFFFF380, s10  }
0x26: {  	[hbm4b:s31+s20] =	stream.strided.scatter [tilespmem:s14], [sflag:$0x3], $0x3200, s21, s20, $0x38;
	[tilespmem:$0x12C00] =	vst v63  }
0x27: {  	_ =	swait.ge [sflag:s22], $0x3200  }
0x28: {  	[sflag:s22] =	ssyncset.done $0x0  }
0x29: {  	[sflag:s22] =	ssyncadd.s32 $0xFFFFCE00  }
0x2a: {  	_ =	swait.ge [sflag:s22], $0x3200  }
0x2b: {  	[sflag:s22] =	ssyncset.done $0x0  }
0x2c: {  	s30 =	sadd.s32 $0xFFFFFFF8, s10;
	[sflag:s22] =	ssyncadd.s32 $0xFFFFCE00  }
0x2d: {  	[hbm4b:s30+s20] =	stream.strided.scatter [tilespmem:s16], [sflag:$0x4], $0x3200, s21, s20, $0x38;
	[tilespmem:$0x12C00] =	vst v63  }
0x2e: {  	_ = 	snop  }
0x2f: {  	[hbm4b:s10+s20] =	stream.strided.scatter [tilespmem:s18], [sflag:$0x4], $0x3200, s21, s20, $0x38;
	[tilespmem:$0x12C00] =	vst v63  }
0x30: {  	_ =	swait.ge [sflag:s23], $0x3200  }
0x31: {  	[sflag:s23] =	ssyncset.done $0x0  }
0x32: {  	[sflag:s23] =	ssyncadd.s32 $0xFFFFCE00  }
0x33: {  	_ =	swait.ge [sflag:s23], $0x3200  }
0x34: {  	[sflag:s23] =	ssyncset.done $0x0  }
0x35: {  	s31 =	simm.s32 $0x320;
	[sflag:s23] =	ssyncadd.s32 $0xFFFFCE00  }
0x36: {  	[tilespmem:s13], [sflag:$0x1] =	stream.indirect.gather [hbm4b:s3+s12], $0x40, s31, s12, $0xb8;
	[tilespmem:$0x12C00] =	vst v63  }
0x37: {  	s30 =	simm.s32 $0x3E8  }
0x38: {  	[tilespmem:s14], [sflag:$0x1] =	stream.indirect.gather [hbm4b:s3+s12], $0x40, s30, s12, $0xb8;
	[tilespmem:$0x12C00] =	vst v63  }
0x39: {  	_ =	swait.ge [sflag:s24], $0x3200  }
0x3a: {  	[sflag:s24] =	ssyncset.done $0x0  }
0x3b: {  	[sflag:s24] =	ssyncadd.s32 $0xFFFFCE00  }
0x3c: {  	_ =	swait.ge [sflag:s24], $0x3200  }
0x3d: {  	s29 =	simm.s32 $0x578;
	s28 =	sadd.s32 $0x1900, s10;
	[sflag:s24] =	ssyncset.done $0x0  }
0x3e: {  	s26 =	simm.s32 $0xC80;
	s31 =	simm.s32 $0x4B0;
	[sflag:s24] =	ssyncadd.s32 $0xFFFFCE00  }
0x3f: {  	[tilespmem:s16], [sflag:$0x2] =	stream.indirect.gather [hbm4b:s3+s12], $0x40, s31, s12, $0xb8;
	[tilespmem:$0x12C00] =	vst v63  }
.LBB2_2:
0x40: {  	[tilespmem:s18], [sflag:$0x2] =	stream.indirect.gather [hbm4b:s3+s12], $0x40, s29, s12, $0xb8;
	[tilespmem:$0x12C00] =	vst v63  }
0x41: {  	s29 =	smov.u32 s26  }
0x42: {  	p0 =	sne.s32 s26, $0x17700;
	s26 =	sadd.s32 $0xC80, s26;
	_ =	swait.ge [sflag:s19], $0x3200  }
0x43: {  	[sflag:s19] =	ssyncset.done $0x0  }
0x44: {  	[sflag:s19] =	ssyncadd.s32 $0xFFFFCE00  }
0x45: {  	_ =	swait.ge [sflag:s19], $0x3200  }
0x46: {  	[sflag:s19] =	ssyncset.done $0x0  }
0x47: {  	s30 =	sadd.s32 $0xFFFFF378, s28;
	[sflag:s19] =	ssyncadd.s32 $0xFFFFCE00  }
0x48: {  	[hbm4b:s30+s20] =	stream.strided.scatter [tilespmem:s13], [sflag:$0x3], $0x3200, s21, s20, $0x38;
	[tilespmem:$0x12C00] =	vst v63  }
0x49: {  	s30 =	sadd.s32 $0xFFFFF380, s28  }
0x4a: {  	[hbm4b:s30+s20] =	stream.strided.scatter [tilespmem:s14], [sflag:$0x3], $0x3200, s21, s20, $0x38;
	[tilespmem:$0x12C00] =	vst v63  }
0x4b: {  	_ =	swait.ge [sflag:s22], $0x3200  }
0x4c: {  	[sflag:s22] =	ssyncset.done $0x0  }
0x4d: {  	[sflag:s22] =	ssyncadd.s32 $0xFFFFCE00  }
0x4e: {  	_ =	swait.ge [sflag:s22], $0x3200  }
0x4f: {  	[sflag:s22] =	ssyncset.done $0x0  }
0x50: {  	s30 =	sadd.s32 $0xFFFFFFF8, s28;
	[sflag:s22] =	ssyncadd.s32 $0xFFFFCE00  }
0x51: {  	[hbm4b:s30+s20] =	stream.strided.scatter [tilespmem:s16], [sflag:$0x4], $0x3200, s21, s20, $0x38;
	[tilespmem:$0x12C00] =	vst v63  }
0x52: {  	_ = 	snop  }
0x53: {  	[hbm4b:s28+s20] =	stream.strided.scatter [tilespmem:s18], [sflag:$0x4], $0x3200, s21, s20, $0x38;
	[tilespmem:$0x12C00] =	vst v63  }
0x54: {  	_ =	swait.ge [sflag:s23], $0x3200  }
0x55: {  	[sflag:s23] =	ssyncset.done $0x0  }
0x56: {  	[sflag:s23] =	ssyncadd.s32 $0xFFFFCE00  }
0x57: {  	_ =	swait.ge [sflag:s23], $0x3200  }
0x58: {  	s29 =	sshra.s32 s29, $0x2;
	[sflag:s23] =	ssyncset.done $0x0  }
0x59: {  	s30 =	sadd.s32 $0x320, s29;
	[sflag:s23] =	ssyncadd.s32 $0xFFFFCE00  }
0x5a: {  	[tilespmem:s13], [sflag:$0x1] =	stream.indirect.gather [hbm4b:s3+s12], $0x40, s30, s12, $0xb8;
	[tilespmem:$0x12C00] =	vst v63  }
0x5b: {  	s30 =	sadd.s32 $0x3E8, s29  }
0x5c: {  	[tilespmem:s14], [sflag:$0x1] =	stream.indirect.gather [hbm4b:s3+s12], $0x40, s30, s12, $0xb8;
	[tilespmem:$0x12C00] =	vst v63  }
0x5d: {  	_ =	swait.ge [sflag:s24], $0x3200  }
0x5e: {  	[sflag:s24] =	ssyncset.done $0x0  }
0x5f: {  	[sflag:s24] =	ssyncadd.s32 $0xFFFFCE00  }
.Ltmp0:
0x60: {  	_ =	swait.ge [sflag:s24], $0x3200;
	(pc) =	sbr.rel @p0 .LBB2_2-.Ltmp0, $4  }
0x61: {  	[sflag:s24] =	ssyncset.done $0x0  }
0x62: {  	s30 =	sadd.s32 $0x4B0, s29;
	[sflag:s24] =	ssyncadd.s32 $0xFFFFCE00  }
0x63: {  	[tilespmem:s16], [sflag:$0x2] =	stream.indirect.gather [hbm4b:s3+s12], $0x40, s30, s12, $0xb8;
	[tilespmem:$0x12C00] =	vst v63  }
0x64: {  	s28 =	sadd.s32 $0x1900, s28;
	s29 =	sadd.s32 $0x578, s29  }
0x65: {  	[tilespmem:s18], [sflag:$0x2] =	stream.indirect.gather [hbm4b:s3+s12], $0x40, s29, s12, $0xb8;
	[tilespmem:$0x12C00] =	vst v63  }
0x66: {  	_ =	swait.ge [sflag:s19], $0x3200  }
0x67: {  	[sflag:s19] =	ssyncset.done $0x0  }
0x68: {  	[sflag:s19] =	ssyncadd.s32 $0xFFFFCE00  }
0x69: {  	_ =	swait.ge [sflag:s19], $0x3200  }
0x6a: {  	[sflag:s19] =	ssyncset.done $0x0  }
0x6b: {  	[sflag:s19] =	ssyncadd.s32 $0xFFFFCE00  }
0x6c: {  	[hbm4b:s6+s20] =	stream.strided.scatter [tilespmem:s13], [sflag:$0x3], $0x3200, s21, s20, $0x38;
	[tilespmem:$0x12C00] =	vst v63  }
0x6d: {  	_ = 	snop  }
0x6e: {  	[hbm4b:s7+s20] =	stream.strided.scatter [tilespmem:s14], [sflag:$0x3], $0x3200, s21, s20, $0x38;
	[tilespmem:$0x12C00] =	vst v63  }
0x6f: {  	_ =	swait.ge [sflag:s22], $0x3200  }
0x70: {  	[sflag:s22] =	ssyncset.done $0x0  }
0x71: {  	[sflag:s22] =	ssyncadd.s32 $0xFFFFCE00  }
0x72: {  	_ =	swait.ge [sflag:s22], $0x3200  }
0x73: {  	[sflag:s22] =	ssyncset.done $0x0  }
0x74: {  	[sflag:s22] =	ssyncadd.s32 $0xFFFFCE00  }
0x75: {  	[hbm4b:s8+s20] =	stream.strided.scatter [tilespmem:s16], [sflag:$0x4], $0x3200, s21, s20, $0x38;
	[tilespmem:$0x12C00] =	vst v63  }
0x76: {  	_ = 	snop  }
0x77: {  	[hbm4b:s9+s20] =	stream.strided.scatter [tilespmem:s18], [sflag:$0x4], $0x3200, s21, s20, $0x38;
	[tilespmem:$0x12C00] =	vst v63  }
0x78: {  	_ =	swait.ge [sflag:s23], $0x3200  }
0x79: {  	[sflag:s23] =	ssyncset.done $0x0  }
0x7a: {  	[sflag:s23] =	ssyncadd.s32 $0xFFFFCE00  }
0x7b: {  	_ =	swait.ge [sflag:s23], $0x3200  }
0x7c: {  	[sflag:s23] =	ssyncset.done $0x0  }
0x7d: {  	s25 =	sadd.s32 $0x1, s25;
	[sflag:s23] =	ssyncadd.s32 $0xFFFFCE00  }
0x7e: {  	p0 =	sne.s32 s25, s5;
	_ =	swait.ge [sflag:s24], $0x3200  }
.Ltmp1:
0x7f: {  	[sflag:s24] =	ssyncset.done $0x0;
	(pc) =	sbr.rel @p0 .LBB2_1-.Ltmp1, $4  }
0x80: {  	[sflag:s24] =	ssyncadd.s32 $0xFFFFCE00  }
0x81: {  	_ =	swait.ge [sflag:s24], $0x3200  }
0x82: {  	[sflag:s24] =	ssyncset.done $0x0  }
0x83: {  	[sflag:s24] =	ssyncadd.s32 $0xFFFFCE00  }
0x84: {  	_ =	sfence.sel $0x180000  }
0x85: {  	[bflag:$0x0] =	sbarrier.arrive $0xFFFF  }
0x86: {  	p0 =	sne.s32 s1, $0x0;
	_ =	strace $0x90000047  }
0x87: {  	s0 =	sadd.s32 @!p0 $0x100000, s0;
	[bflag:$0x2] =	sbarrier.arrive $0xFFFF  }
0x88: {  	[sflag:s0] =	ssyncadd.tile.s32 @!p0 $0x1;
	_ =	shalt  }
.Lfunc_end2:
_tile_overlayer_lowered:
.L_overlay_start_2:
0x89: {  	(tag) =	ssettag $0x2  }
0x8a: {  	s0 =	rddreg [dreg:$0x0];
	s2 =	stileid.u32  }
0x8b: {  	s1 =	rddreg [dreg:$0x1];
	p0 =	sne.s32 s2, $0x0  }
0x8c: {  	s3 =	rddreg [dreg:$0x2];
	[bflag:$0x3] =	sbarrier.arrive $0xFFFF;
	s2 =	simm.s32 @!p0 $0x1C05  }
0x8d: {  	[timem:s3], [sflag:s2] =	dma.local @!p0 [hbm:s0], s1  }
0x8e: {  	s0 =	simm.s32 @!p0 $0x5  }
0x8f: {  	_ =	swait.ge @!p0 [sflag:s0], s1  }
0x90: {  	s1 =	ssub.s32 @!p0 $0x0, s1;
	[sflag:s0] =	ssyncset.done @!p0 $0x0  }
0x91: {  	[sflag:s0] =	ssyncadd.s32 @!p0 s1  }
0x92: {  	[bflag:$0x3] =	sbarrier.arrive $0xFFFF  }
0x93: {  	_ =	shalt  }

// kernel: sparse-core-data-format-call.cloned.1.call-start
scs
called_computation_lowered:
.L_overlay_start_0:
0x0: {  	s2 =	sld [smem:$0x3FD9]  }
0x1: {  	s3 =	sld [smem:$0x3FFE];
	_ =	sdelay $0x1  }
0x2: {  	s1 =	srdreg.scid  }
0x3: {  	s0 =	sand.u32 $0x1, s1  }
0x4: {  	s18 =	sshll.u32 s0, $0xA;
	s2 =	sadd.s32 s3, s2  }
0x5: {  	s2 =	sadd.s32 s2, s18  }
0x6: {  	[smem:$0x3FC6] =	sst s2  }
0x7: {  	_ = 	snop  }
0x8: {  	s2 =	sld [smem:$0x3FD0];
	(tm) =	ssettm $0x1  }
0x9: {  	s19 =	sld [smem:$0x3FFB];
	_ =	sdelay $0x3  }
0xa: {  	_ =	strace s19  }
0xb: {  	s3 =	sld [smem:$0x3FFC];
	_ =	sdelay $0x3  }
0xc: {  	_ =	strace s3  }
0xd: {  	s3 =	sld [smem:$0x3FFD];
	_ =	sdelay $0x3  }
0xe: {  	_ =	strace s3  }
0xf: {  	_ =	strace $0x8FFFFFFF  }
0x10: {  	s20 =	sld [smem:$0x3FDB];
	_ =	sdelay $0x1  }
0x11: {  	s4 =	simm.s32 $_scs_section_size  }
0x12: {  	s5 =	simm.s32 $_size__tile_overlayer_lowered;
	s6 =	simm.s32 $_tile_overlayer_lowered  }
0x13: {  	s23 =	simm.s32 $0x1BFF;
	s22 =	sshll.u32 s6, $0x1;
	s3 =	sadd.s32 s4, s20  }
0x14: {  	s7 =	simm.s32 $0x0;
	s21 =	sshll.u32 s5, $0x1;
	s5 =	sadd.s32 s22, s3  }
0x15: {  	[timem:s7], [sflag:s23] =	dma.local [hbm:s5], s21  }
0x16: {  	_ =	swait.ge [sflag:s23], s21  }
0x17: {  	s4 =	ssub.s32 $0x0, s21;
	[sflag:s23] =	ssyncset.done $0x0  }
0x18: {  	[sflag:s23] =	ssyncadd.s32 s4;
	_ =	sdelay $0x1  }
0x19: {  	s24 =	simm.s32 $0x1B8B  }
0x1a: {  	_ =	swait.ge [sflag:s24], $0x1  }
0x1b: {  	[sflag:s24] =	ssyncset.done $0x0  }
0x1c: {  	s26 =	simm.s32 $0x1B8E;
	s25 =	sld [smem:$0x3FFE];
	[sflag:s24] =	ssyncadd.s32 $0xFFFFFFFF  }
0x1d: {  	s27 =	simm.s32 $execute0_lowered;
	[smem:$0x3FD2] =	sst s26  }
0x1e: {  	s5 =	sshll.u32 s27, $0x1;
	_ =	strace $0x80000049;
	[dreg:$0x1] =	wrdreg $0xFFFFFFFF  }
0x1f: {  	s28 =	simm.s32 $_size_execute0_lowered;
	s3 =	sadd.s32 s3, s5;
	[dreg:$0x0] =	wrdreg $0x0  }
0x20: {  	s5 =	sshll.u32 s28, $0x1;
	[dreg:$0x2] =	wrdreg s3  }
0x21: {  	[dreg:$0x3] =	wrdreg s5  }
0x22: {  	[dreg:$0x4] =	wrdreg $0xC0  }
0x23: {  	_ =	task [dreg:s7], $0x5FFFF  }
0x24: {  	[dreg:$0x1] =	wrdreg $0xFFFFFFFF  }
0x25: {  	[dreg:$0x0] =	wrdreg $0x60  }
0x26: {  	[dreg:$0x2] =	wrdreg s25  }
0x27: {  	[dreg:$0x3] =	wrdreg s2  }
0x28: {  	[dreg:$0x4] =	wrdreg $0x9  }
0x29: {  	_ =	task.clear_ibuf [dreg:s7], $0x5FFFF;
	_ =	strace $0x90000049  }
0x2a: {  	s29 =	simm.s32 $0x9;
	_ =	strace $0x8000004B  }
0x2b: {  	_ =	swait.ge [sflag:s29], $0x1  }
0x2c: {  	[sflag:s29] =	ssyncadd.s32 $0xFFFFFFFF  }
0x2d: {  	_ =	strace $0x9000004B  }
0x2e: {  	_ =	sfence  }
0x2f: {  	s30 =	sld [smem:$0x0];
	_ =	sdelay $0x2  }
0x30: {  	s31 =	sshll.u32 s1, $0xD;
	s1 =	sshrl.u32 s1, $0x2  }
0x31: {  	s3 =	sand.u32 $0x4000, s31;
	s1 =	sadd.s32 s1, s30  }
0x32: {  	s0 =	sor.u32 s3, s0;
	s1 =	sshll.u32 s1, $0x11  }
0x33: {  	s0 =	sor.u32 s1, s0  }
0x34: {  	s0 =	sadd.s32 $0x8F2B, s0  }
0x35: {  	[sflag:s0] =	ssyncadd.remote.s32 $0x1  }
0x36: {  	_ =	sfence.sel $0xFFFF  }
0x37: {  	[dreg:$0x0] =	wrdreg $0xFFFFFFFF;
	(pc) =	sbr.abs _section_cstart, $3  }
0x38: {  	[dreg:$0x1] =	wrdreg $0xFFFFFFFF  }
0x39: {  	_ =	task.clear_ibuf [dreg:s7], $0x2FFFF;
	_ =	strace $0x9FFFFFFF  }
0x3a: {  	(tm) =	ssettm $0x7FFFFFFF  }
0x3b: {  	_ =	shalt  }
tec
execute0_lowered:
.L_overlay_start_1:
0x0: {  	(tag) =	ssettag $0x1  }
0x1: {  	s0 =	srdreg.scid  }
0x2: {  	s1 =	sshll.u32 s0, $0x4  }
0x3: {  	s0 =	stileid.u32;
	s1 =	sand.u32 $0x10, s1  }
0x4: {  	s1 =	sor.u32 s0, s1  }
0x5: {  	s6 =	rddreg [dreg:$0x0];
	s4 =	simm.s32 $0x1;
	s2 =	sshll.u32 s1, $0x7  }
0x6: {  	s7 =	simm.s32 $0x2;
	s12 =	simm.s32 $0x0;
	s1 =	ssub.s32 $0x1000, s2  }
0x7: {  	s8 =	simm.s32 $0x8000;
	s13 =	simm.s32 $0x0;
	s3 =	sand.u32 $0xF80, s1  }
0x8: {  	s9 =	simm.s32 $0x0;
	s5 =	sshrl.u32 s1, $0xC;
	p0 =	sne.s32 s3, $0x0  }
.Ltmp0:
0x9: {  	s1 =	rddreg [dreg:$0x2];
	s4 =	simm.s32 @!p0 $0x0;
	(pc) =	sbr.rel .LBB1_1-.Ltmp0, $4  }
0xa: {  	s11 =	simm.s32 $0x0;
	s3 =	rddreg [dreg:$0x1];
	s5 =	sadd.s32 s4, s5  }
0xb: {  	_ =	strace $0x8000004A;
	s4 =	simm.s32 $0x1;
	s5 =	smul.u32 $0xC8, s5  }
0xc: {  	s6 =	sadd.s32 $0x800, s6;
	s10 =	smov.u32 s2;
	[sflag:s4] =	ssyncpa.u1 $0x0  }
0xd: {  	p0 =	por $0x0, $0x0;
	[sflag:s7] =	ssyncpa.u1 $0x0;
	s7 =	sor.u32 $0x1, s5  }
.LBB1_4:
0xe: {  	s16 =	sshll.u32 s13, $0x3;
	s17 =	sand.u32 $0x78, s13  }
0xf: {  	s30 =	sand.u32 $0x7E00, s13;
	s12 =	sshll.u32 s12, $0xF;
	s16 =	sand.u32 $0xC00, s16  }
0x10: {  	[tilespmem:s15+$0x810 ss:$0x81] =	vst.msk $0xffff, v2;
	s31 =	sand.u32 $0x7, s13;
	s16 =	sor.u32 s17, s16;
	s17 =	sadd.s32 s3, s30  }
0x11: {  	[tilespmem:s15+$0x1020 ss:$0x81] =	vst.msk $0xffff, v0;
	s13 =	sshll.u32 s31, $0x12;
	s12 =	sadd.s32 s12, s17;
	s16 =	sshrl.u32 s16, $0x3  }
0x12: {  	[tilespmem:s15+$0x0 ss:$0x81] =	vst.msk $0xffff, v1;
	s13 =	sor.u32 $0x400, s13;
	s12 =	sadd.s32 s16, s12  }
0x13: {  	[hbm4b:s12+s13] =	stream.strided.scatter [tilespmem:s14], [sflag:$0x2], $0x2000, s8, s13, $0x20;
	[tilespmem:$0x8080] =	vst v63  }
.LBB1_5:
0x14: {  	s14 =	sadd.s32 $0x1, s9  }
0x15: {  	s12 =	sadd.s32 $0x1000, s10;
	s16 =	smov.u32 s10;
	p2 =	sgt.s32 s14, $0xC7  }
0x16: {  	s16 =	smov.u32 @p2 s12  }
0x17: {  	s14 =	simm.s32 @p2 $0x0;
	p2 =	sgt.s32 s16, $0xFFF  }
0x18: {  	s16 =	smov.u32 @p2 s2;
	p2 =	sne.s32 s11, s7  }
.Ltmp1:
0x19: {  	p1 =	slt.u32 s11, $0x2;
	(pc) =	sbr.rel @!p2 .LBB1_6-.Ltmp1, $4  }
0x1a: {  	s15 =	simm.s32 @!p1 $0x2  }
0x1b: {  	s13 =	smov.u32 s10;
	p0 =	por !p0, !p0;
	_ =	swait.ge @!p1 [sflag:s15], $0x2000  }
0x1c: {  	s12 =	smov.u32 s9;
	[sflag:s15] =	ssyncset.done @!p1 $0x0;
	s9 =	smov.u32 s14  }
0x1d: {  	s11 =	sadd.s32 $0x1, s11;
	[sflag:s15] =	ssyncadd.s32 @!p1 $0xFFFFE000;
	s10 =	smov.u32 s16  }
.LBB1_1:
0x1e: {  	p1 =	sge.u32 s11, s5  }
0x1f: {  	s14 =	sand.u32 @!p1 $0x1FFFFFF, s9  }
0x20: {  	s15 =	smulhi.u32 @!p1 $0x147AE15, s14;
	_ =	sdelay $0x1  }
0x21: {  	s15 =	smul.u32 @!p1 $0xC8, s15  }
0x22: {  	s16 =	sxor.u32 @!p1 $0xFFFFFFFF, s11;
	s17 =	smul.u32 @!p1 $0xC80, s10  }
0x23: {  	s31 =	sadd.s32 $0xFFFFFFFF, s11;
	s16 =	sshll.u32 @!p1 s16, $0xD;
	s14 =	ssub.s32 @!p1 s14, s15  }
0x24: {  	s15 =	sand.u32 @!p1 $0x2000, s16;
	s16 =	sadd.s32 @!p1 s6, s17;
	s14 =	sshll.u32 @!p1 s14, $0x4  }
0x25: {  	s17 =	simm.s32 @!p1 $0x6400;
	s14 =	sadd.s32 @!p1 s14, s16;
	s16 =	simm.s32 @!p1 $0x40  }
0x26: {  	[tilespmem:s15], [sflag:$0x1] =	stream.strided.gather @!p1 [hbm4b:s14+s16], $0x2000, s17, s16, $0x38;
	[tilespmem:$0x8080] =	vst v63  }
0x27: {  	p1 =	sge.u32 s31, s5  }
.Ltmp2:
0x28: {  	_ = 	snop;
	(pc) =	sbr.rel @p1 .LBB1_5-.Ltmp2, $1  }
0x29: {  	_ =	sdelay $0x3  }
0x2a: {  	s14 =	simm.s32 $0x1  }
0x2b: {  	_ =	swait.ge [sflag:s4], $0x2000;
	s14 =	simm.s32 @!p0 $0x0  }
0x2c: {  	[sflag:s4] =	ssyncset.done $0x0;
	s15 =	sshll.u32 s14, $0xD  }
0x2d: {  	[sflag:s4] =	ssyncadd.s32 $0xFFFFE000;
	s18 =	sor.u32 $0x20, s15  }
0x2e: {  	s14 =	smul.u32 $0x8100, s14;
	v3 =	vld [tilespmem:s18+$0x10]  }
0x2f: {  	s30 =	sand.u32 $0x1, s11;
	v2 =	vld [tilespmem:s18+$0xFFFFFFF0]  }
0x30: {  	s15 =	smul.u32 $0x8100, s30;
	s14 =	sshrl.u32 s14, $0x2;
	v0 =	vld [tilespmem:s18+$0x0]  }
0x31: {  	v1 =	vld [tilespmem:s18+$0xFFFFFFE0];
	s16 =	sor.u32 $0x4000, s14  }
0x32: {  	s31 =	sshrl.u32 s15, $0x2;
	s15 =	sadd.s32 $0x0, s16  }
0x33: {  	s17 =	simm.s32 $0x4;
	s18 =	sadd.s32 $0x40, s18;
	s14 =	sor.u32 $0x4000, s31;
	[tilespmem:s15+$0x1830 ss:$0x81] =	vst.msk $0xffff, v3  }
.LBB1_3:
0x34: {  	v3 =	vld [tilespmem:s18+$0x10];
	p1 =	sne.s32 s17, $0x1FC;
	[tilespmem:s15+$0x810 ss:$0x81] =	vst.msk $0xffff, v2;
	s19 =	smov.u32 s17;
	s17 =	sadd.s32 $0x4, s17  }
.Ltmp3:
0x35: {  	v2 =	vld [tilespmem:s18+$0xFFFFFFF0];
	[tilespmem:s15+$0x1020 ss:$0x81] =	vst.msk $0xffff, v0;
	(pc) =	sbr.rel @p1 .LBB1_3-.Ltmp3, $4  }
0x36: {  	v0 =	vld [tilespmem:s18+$0x0];
	[tilespmem:s15+$0x0 ss:$0x81] =	vst.msk $0xffff, v1  }
0x37: {  	s15 =	sshra.s32 s19, $0x2;
	v1 =	vld [tilespmem:s18+$0xFFFFFFE0]  }
0x38: {  	s15 =	sadd.s32 s15, s16  }
0x39: {  	s18 =	sadd.s32 $0x40, s18;
	[tilespmem:s15+$0x1830 ss:$0x81] =	vst.msk $0xffff, v3  }
.Ltmp4:
0x3a: {  	_ = 	snop;
	(pc) =	sbr.rel .LBB1_4-.Ltmp4, $1  }
0x3b: {  	_ =	sdelay $0x3  }
.LBB1_6:
0x3c: {  	_ =	sfence.sel $0x180000  }
0x3d: {  	s2 =	simm.s32 $0x1;
	[bflag:$0x0] =	sbarrier.arrive $0xFFFF  }
0x3e: {  	s31 =	simm.s32 $0x2;
	[sflag:s2] =	ssyncpa.u1 $0x1  }
0x3f: {  	[sflag:s31] =	ssyncpa.u1 $0x1  }
0x40: {  	p0 =	sne.s32 s0, $0x0;
	_ =	strace $0x9000004A  }
0x41: {  	s0 =	sadd.s32 @!p0 $0x100000, s1;
	[bflag:$0x2] =	sbarrier.arrive $0xFFFF  }
0x42: {  	[sflag:s0] =	ssyncadd.tile.s32 @!p0 $0x1;
	_ =	shalt  }
.Lfunc_end1:
_tile_overlayer_lowered:
.L_overlay_start_2:
0x43: {  	(tag) =	ssettag $0x2  }
0x44: {  	s0 =	rddreg [dreg:$0x0];
	s2 =	stileid.u32  }
0x45: {  	s1 =	rddreg [dreg:$0x1];
	p0 =	sne.s32 s2, $0x0  }
0x46: {  	s3 =	rddreg [dreg:$0x2];
	[bflag:$0x3] =	sbarrier.arrive $0xFFFF;
	s2 =	simm.s32 @!p0 $0x1C01  }
0x47: {  	[timem:s3], [sflag:s2] =	dma.local @!p0 [hbm:s0], s1  }
0x48: {  	s0 =	simm.s32 @!p0 $0x1  }
0x49: {  	_ =	swait.ge @!p0 [sflag:s0], s1  }
0x4a: {  	s1 =	ssub.s32 @!p0 $0x0, s1;
	[sflag:s0] =	ssyncset.done @!p0 $0x0  }
0x4b: {  	[sflag:s0] =	ssyncadd.s32 @!p0 s1  }
0x4c: {  	[bflag:$0x3] =	sbarrier.arrive $0xFFFF  }
0x4d: {  	_ =	shalt  }

</sc_bundles>
